<compile_context>
chip_gen: v7x
topology: tpu7x:2x2x1
jax: 0.10.2.dev20260603
libtpu: 0.0.44.dev20260713+nightly
codegen_flags: <defaults>
</compile_context>

<pallas_src>
import jax
import jax.numpy as jnp
from jax import lax
from jax.experimental import pallas as pl
from jax.experimental.pallas import tpu as pltpu
from jax.experimental.pallas import tpu_sc as plsc

B = 16
Q = 5000
C = 92
N = B * Q
THRESH = 0.7


P = 4
NSTEP = C // P


def _tc_body(x_ref, sc_ref, lb_ref, m91r, mAr, sr, lblr):
    i = pl.program_id(0)
    xs = [x_ref[k] for k in range(P)]
    cmax = jnp.maximum(jnp.maximum(xs[0], xs[1]), jnp.maximum(xs[2], xs[3]))

    @pl.when(i == 0)
    def _():
        m = xs[0]
        lbl = jnp.zeros((B, Q), jnp.int32)
        for k in range(1, P):
            gt = xs[k] > m
            m = jnp.where(gt, xs[k], m)
            lbl = jnp.where(gt, k, lbl)
        m91r[...] = m
        lblr[...] = lbl
        mAr[...] = cmax
        acc = jnp.exp(xs[0] - cmax)
        for k in range(1, P):
            acc = acc + jnp.exp(xs[k] - cmax)
        sr[...] = acc

    @pl.when((i > 0) & (i < NSTEP - 1))
    def _():
        m = m91r[...]
        lbl = lblr[...]
        for k in range(P):
            gt = xs[k] > m
            m = jnp.where(gt, xs[k], m)
            lbl = jnp.where(gt, P * i + k, lbl)
        m91r[...] = m
        lblr[...] = lbl
        mo = mAr[...]
        mn = jnp.maximum(mo, cmax)
        acc = sr[...] * jnp.exp(mo - mn)
        for k in range(P):
            acc = acc + jnp.exp(xs[k] - mn)
        sr[...] = acc
        mAr[...] = mn

    @pl.when(i == NSTEP - 1)
    def _():
        m = m91r[...]
        lbl = lblr[...]
        for k in range(P - 1):
            gt = xs[k] > m
            m = jnp.where(gt, xs[k], m)
            lbl = jnp.where(gt, P * (NSTEP - 1) + k, lbl)
        mo = mAr[...]
        mn = jnp.maximum(mo, cmax)
        acc = sr[...] * jnp.exp(mo - mn)
        for k in range(P):
            acc = acc + jnp.exp(xs[k] - mn)
        score = jnp.exp(m - mn) / acc
        keep = score > THRESH
        sc_ref[...] = jnp.where(keep, score, 0.0)
        lb_ref[...] = jnp.where(keep, lbl, 0)


_tc_scores = pl.pallas_call(
    _tc_body,
    grid=(NSTEP,),
    in_specs=[
        pl.BlockSpec((P, B, Q), lambda i: (i, 0, 0))
    ],
    out_specs=[
        pl.BlockSpec((B, Q), lambda i: (0, 0)),
        pl.BlockSpec((B, Q), lambda i: (0, 0)),
    ],
    out_shape=[
        jax.ShapeDtypeStruct((B, Q), jnp.float32),
        jax.ShapeDtypeStruct((B, Q), jnp.int32),
    ],
    scratch_shapes=[
        pltpu.VMEM((B, Q), jnp.float32),
        pltpu.VMEM((B, Q), jnp.float32),
        pltpu.VMEM((B, Q), jnp.float32),
        pltpu.VMEM((B, Q), jnp.int32),
    ],
)


EPW = 2 * Q
UNROLL = 4
NFULL = Q // (16 * UNROLL)


def _sc_body(boxes, scores, scale, boxes_o, bbuf, obuf, sbuf, scbuf):
    w = lax.axis_index("s") * 2 + lax.axis_index("c")
    ebase = w * EPW
    b = w // 2
    r0 = 2 * w

    pltpu.sync_copy(scale, scbuf)
    pltpu.sync_copy(boxes.at[pl.ds(ebase, EPW)], bbuf)
    pltpu.sync_copy(scores.at[pl.ds(b * Q, Q)], sbuf)

    pltpu.sync_copy(bbuf, boxes_o.at[pl.ds(ebase, EPW)])


_sc_boxes = pl.kernel(
    _sc_body,
    out_type=jax.ShapeDtypeStruct((N * 4,), jnp.float32),
    mesh=plsc.VectorSubcoreMesh(core_axis_name="c", subcore_axis_name="s"),
    scratch_types=[
        pltpu.VMEM((EPW,), jnp.float32),
        pltpu.VMEM((EPW,), jnp.float32),
        pltpu.VMEM((Q,), jnp.float32),
        pltpu.VMEM((64,), jnp.float32),
    ],
    compiler_params=pltpu.CompilerParams(needs_layout_passes=False),
)


@jax.jit
def kernel(pred_logits, pred_boxes, target_sizes):
    lgT = jnp.transpose(pred_logits, (2, 0, 1))
    scores2d, labels2d = _tc_scores(lgT)

    ts = target_sizes.astype(jnp.float32)
    img_h = ts[:, 0]
    img_w = ts[:, 1]
    scale = jnp.stack([img_w, img_h, img_w, img_h], axis=1).reshape(-1)

    bxt = jnp.transpose(pred_boxes, (0, 2, 1)).reshape(-1)
    boxes_t = _sc_boxes(bxt, jnp.zeros((N,), jnp.float32), scale)
    boxes = jnp.transpose(boxes_t.reshape(B, 4, Q), (0, 2, 1))

    keep = scores2d > THRESH
    return scores2d, labels2d, boxes, keep

# --- scband reference (transcript-rebuilt; emitter-appended) ---
"""Pipeline reference for scband-post-process-20031727468671 (READ-ONLY COPY).

The authoritative reference and input builder live on the scoring server;
editing this copy changes nothing except your own understanding.
"""

import jax, jax.numpy as jnp
import numpy as np


def setup_inputs(seed: int = 0) -> dict:
    key = jax.random.key(seed)
    k1, k2, k3 = jax.random.split(key, 3)
    pred_logits = jax.random.normal(k1, (16, 5000, 92), dtype=jnp.float32)
    pred_boxes = jax.random.uniform(k2, (16, 5000, 4), dtype=jnp.float32)
    target_sizes = jax.random.randint(k3, (16, 2), 0, 1333).astype(jnp.int64)
    return {"pred_logits": pred_logits, "pred_boxes": pred_boxes, "target_sizes": target_sizes}


def reference(pred_logits, pred_boxes, target_sizes):
    # prob = softmax(out_logits, -1); scores, labels = prob[..., :-1].max(-1)
    prob = jax.nn.softmax(pred_logits, axis=-1)
    cls_prob = prob[..., :-1]
    scores = jnp.max(cls_prob, axis=-1)
    labels = jnp.argmax(cls_prob, axis=-1)
    # scale boxes from normalized [cx,cy,w,h]-style coords to pixel coords
    img_h = target_sizes[:, 0].astype(pred_boxes.dtype)
    img_w = target_sizes[:, 1].astype(pred_boxes.dtype)
    scale_fct = jnp.stack([img_w, img_h, img_w, img_h], axis=1)
    boxes = pred_boxes * scale_fct[:, None, :]
    # keep = s > 0.7 ; variable-length boolean indexing is replaced by a
    # fixed-shape mask (zeros for filtered entries) to stay array-shaped.
    keep = scores > 0.7
    scores_out = jnp.where(keep, scores, 0.0)
    labels_out = jnp.where(keep, labels, 0)
    boxes_out = jnp.where(keep[..., None], boxes, 0.0)
    return (scores_out, labels_out, boxes_out, keep)

if __name__ == "__main__":
    import jax
    _d = setup_inputs()
    print(jax.jit(kernel)(*tuple(_d.values())))

</pallas_src>

<mosaic_0001>
#map = affine_map<(d0, d1) -> (0)>
module attributes {stable_mosaic.version = 14 : i64} {
  func.func @_sc_body(%arg0: i32, %arg1: i32, %arg2: memref<320000xf32, #tpu.memory_space<hbm>>, %arg3: memref<80000xf32, #tpu.memory_space<hbm>>, %arg4: memref<64xf32, #tpu.memory_space<hbm>>, %arg5: memref<320000xf32, #tpu.memory_space<hbm>>, %arg6: memref<10000xf32, #tpu.memory_space<vmem>>, %arg7: memref<10000xf32, #tpu.memory_space<vmem>>, %arg8: memref<5000xf32, #tpu.memory_space<vmem>>, %arg9: memref<64xf32, #tpu.memory_space<vmem>>) attributes {dimension_semantics = [#tpu.dimension_semantics<core_parallel>, #tpu.dimension_semantics<subcore_parallel>], iteration_bounds = array<i64: 2, 16>, scalar_prefetch = 0 : i64, scratch_operands = 4 : i64, tpu.core_type = #tpu.core_type<sc_vector_subcore>, window_params = [{transform_indices = #map}, {transform_indices = #map}, {transform_indices = #map}, {transform_indices = #map}]} {
    %mul3A = arith.constant 2 : i32
    %mul3A_0 = arith.muli %arg1, %mul3A : i32
    %add3A = arith.addi %mul3A_0, %arg0 : i32
    %mul3A_1 = arith.constant 10000 : i32
    %mul3A_2 = arith.muli %add3A, %mul3A_1 : i32
    %jit3A = arith.constant 2 : i32
    %div3A = arith.divsi %add3A, %jit3A : i32
    %sign3A = arith.constant 0 : i32
    %sign3A_3 = arith.cmpi sgt, %add3A, %sign3A : i32
    %sign3A_4 = arith.extui %sign3A_3 : i1 to i32
    %sign3A_5 = arith.constant 0 : i32
    %sign3A_6 = arith.cmpi slt, %add3A, %sign3A_5 : i32
    %sign3A_7 = arith.extui %sign3A_6 : i1 to i32
    %sign3A_8 = arith.subi %sign3A_4, %sign3A_7 : i32
    %sign3A_9 = arith.constant 0 : i32
    %sign3A_10 = arith.cmpi sgt, %jit3A, %sign3A_9 : i32
    %sign3A_11 = arith.extui %sign3A_10 : i1 to i32
    %sign3A_12 = arith.constant 0 : i32
    %sign3A_13 = arith.cmpi slt, %jit3A, %sign3A_12 : i32
    %sign3A_14 = arith.extui %sign3A_13 : i1 to i32
    %sign3A_15 = arith.subi %sign3A_11, %sign3A_14 : i32
    %ne3A = arith.cmpi ne, %sign3A_8, %sign3A_15 : i32
    %rem3A = arith.remsi %add3A, %jit3A : i32
    %ne3A_16 = arith.constant 0 : i32
    %ne3A_17 = arith.cmpi ne, %rem3A, %ne3A_16 : i32
    %and3A = arith.andi %ne3A, %ne3A_17 : i1
    %sub3A = arith.constant 1 : i32
    %sub3A_18 = arith.subi %div3A, %sub3A : i32
    %select_n3A = arith.select %and3A, %sub3A_18, %div3A : i32
    %mul3A_19 = arith.constant 2 : i32
    %mul3A_20 = arith.muli %mul3A_19, %add3A : i32
    "tpu.region"() ({
      %run_scoped3A = tpu.sem_alloc : memref<!tpu.dma_semaphore, #tpu.memory_space<semaphore_mem>>
      tpu.enqueue_dma source(%arg4 : memref<64xf32, #tpu.memory_space<hbm>>) target(%arg9 : memref<64xf32, #tpu.memory_space<vmem>>) target_semaphore(%run_scoped3A : memref<!tpu.dma_semaphore, #tpu.memory_space<semaphore_mem>>)
      tpu.wait_dma2 semaphore(%run_scoped3A : memref<!tpu.dma_semaphore, #tpu.memory_space<semaphore_mem>>) src(%arg4 : memref<64xf32, #tpu.memory_space<hbm>>) dst(%arg9 : memref<64xf32, #tpu.memory_space<vmem>>)
      tpu.yield
    }) : () -> ()
    "tpu.region"() ({
      %run_scoped3A = tpu.sem_alloc : memref<!tpu.dma_semaphore, #tpu.memory_space<semaphore_mem>>
      %dma_start3A = tpu.memref_slice %arg2[%mul3A_2] : memref<320000xf32, #tpu.memory_space<hbm>> -> memref<10000xf32, #tpu.memory_space<hbm>>
      %dma_start3A_23 = tpu.memref_slice %arg2[%mul3A_2] : memref<320000xf32, #tpu.memory_space<hbm>> -> memref<10000xf32, #tpu.memory_space<hbm>>
      tpu.enqueue_dma source(%dma_start3A_23 : memref<10000xf32, #tpu.memory_space<hbm>>) target(%arg6 : memref<10000xf32, #tpu.memory_space<vmem>>) target_semaphore(%run_scoped3A : memref<!tpu.dma_semaphore, #tpu.memory_space<semaphore_mem>>)
      %dma_wait3A = tpu.memref_slice %arg2[%mul3A_2] : memref<320000xf32, #tpu.memory_space<hbm>> -> memref<10000xf32, #tpu.memory_space<hbm>>
      %dma_wait3A_24 = tpu.memref_slice %arg2[%mul3A_2] : memref<320000xf32, #tpu.memory_space<hbm>> -> memref<10000xf32, #tpu.memory_space<hbm>>
      tpu.wait_dma2 semaphore(%run_scoped3A : memref<!tpu.dma_semaphore, #tpu.memory_space<semaphore_mem>>) src(%dma_wait3A_24 : memref<10000xf32, #tpu.memory_space<hbm>>) dst(%arg6 : memref<10000xf32, #tpu.memory_space<vmem>>)
      tpu.yield
    }) : () -> ()
    %mul3A_21 = arith.constant 5000 : i32
    %mul3A_22 = arith.muli %select_n3A, %mul3A_21 : i32
    "tpu.region"() ({
      %run_scoped3A = tpu.sem_alloc : memref<!tpu.dma_semaphore, #tpu.memory_space<semaphore_mem>>
      %dma_start3A = tpu.memref_slice %arg3[%mul3A_22] : memref<80000xf32, #tpu.memory_space<hbm>> -> memref<5000xf32, #tpu.memory_space<hbm>>
      %dma_start3A_23 = tpu.memref_slice %arg3[%mul3A_22] : memref<80000xf32, #tpu.memory_space<hbm>> -> memref<5000xf32, #tpu.memory_space<hbm>>
      tpu.enqueue_dma source(%dma_start3A_23 : memref<5000xf32, #tpu.memory_space<hbm>>) target(%arg8 : memref<5000xf32, #tpu.memory_space<vmem>>) target_semaphore(%run_scoped3A : memref<!tpu.dma_semaphore, #tpu.memory_space<semaphore_mem>>)
      %dma_wait3A = tpu.memref_slice %arg3[%mul3A_22] : memref<80000xf32, #tpu.memory_space<hbm>> -> memref<5000xf32, #tpu.memory_space<hbm>>
      %dma_wait3A_24 = tpu.memref_slice %arg3[%mul3A_22] : memref<80000xf32, #tpu.memory_space<hbm>> -> memref<5000xf32, #tpu.memory_space<hbm>>
      tpu.wait_dma2 semaphore(%run_scoped3A : memref<!tpu.dma_semaphore, #tpu.memory_space<semaphore_mem>>) src(%dma_wait3A_24 : memref<5000xf32, #tpu.memory_space<hbm>>) dst(%arg8 : memref<5000xf32, #tpu.memory_space<vmem>>)
      tpu.yield
    }) : () -> ()
    "tpu.region"() ({
      %run_scoped3A = tpu.sem_alloc : memref<!tpu.dma_semaphore, #tpu.memory_space<semaphore_mem>>
      %dma_start3A = tpu.memref_slice %arg5[%mul3A_2] : memref<320000xf32, #tpu.memory_space<hbm>> -> memref<10000xf32, #tpu.memory_space<hbm>>
      %dma_start3A_23 = tpu.memref_slice %arg5[%mul3A_2] : memref<320000xf32, #tpu.memory_space<hbm>> -> memref<10000xf32, #tpu.memory_space<hbm>>
      tpu.enqueue_dma source(%arg6 : memref<10000xf32, #tpu.memory_space<vmem>>) target(%dma_start3A_23 : memref<10000xf32, #tpu.memory_space<hbm>>) target_semaphore(%run_scoped3A : memref<!tpu.dma_semaphore, #tpu.memory_space<semaphore_mem>>)
      %dma_wait3A = tpu.memref_slice %arg5[%mul3A_2] : memref<320000xf32, #tpu.memory_space<hbm>> -> memref<10000xf32, #tpu.memory_space<hbm>>
      %dma_wait3A_24 = tpu.memref_slice %arg5[%mul3A_2] : memref<320000xf32, #tpu.memory_space<hbm>> -> memref<10000xf32, #tpu.memory_space<hbm>>
      tpu.wait_dma2 semaphore(%run_scoped3A : memref<!tpu.dma_semaphore, #tpu.memory_space<semaphore_mem>>) src(%arg6 : memref<10000xf32, #tpu.memory_space<vmem>>) dst(%dma_wait3A_24 : memref<10000xf32, #tpu.memory_space<hbm>>)
      tpu.yield
    }) : () -> ()
    return
  }
}

module attributes {stable_mosaic.version = 14 : i64} {
  func.func @_tc_body(%arg0: i32, %arg1: memref<4x16x5000xf32, #tpu.memory_space<vmem>>, %arg2: memref<16x5000xf32, #tpu.memory_space<vmem>>, %arg3: memref<16x5000xi32, #tpu.memory_space<vmem>>, %arg4: memref<16x5000xf32, #tpu.memory_space<vmem>>, %arg5: memref<16x5000xf32, #tpu.memory_space<vmem>>, %arg6: memref<16x5000xf32, #tpu.memory_space<vmem>>, %arg7: memref<16x5000xi32, #tpu.memory_space<vmem>>) attributes {dimension_semantics = [#tpu.dimension_semantics<arbitrary>], iteration_bounds = array<i64: 23>, scalar_prefetch = 0 : i64, scratch_operands = 4 : i64, tpu.core_type = #tpu.core_type<tc>, window_params = [{transform_indices = @transform_0, window_bounds = array<i64: 4, 16, 5000>}, {pipeline_mode = #tpu.pipeline_mode<synchronous>, transform_indices = @transform_1, window_bounds = array<i64: 16, 5000>}, {pipeline_mode = #tpu.pipeline_mode<synchronous>, transform_indices = @transform_2, window_bounds = array<i64: 16, 5000>}]} {
    %get3A = arith.constant 0 : index
    %get3A_0 = arith.constant 0 : index
    %get3A_1 = arith.constant 0 : index
    %get3A_2 = vector.load %arg1[%get3A, %get3A_0, %get3A_1] : memref<4x16x5000xf32, #tpu.memory_space<vmem>>, vector<1x16x5000xf32>
    %get3A_3 = vector.shape_cast %get3A_2 : vector<1x16x5000xf32> to vector<16x5000xf32>
    %get3A_4 = arith.constant 1 : index
    %get3A_5 = arith.constant 0 : index
    %get3A_6 = arith.constant 0 : index
    %get3A_7 = vector.load %arg1[%get3A_4, %get3A_5, %get3A_6] : memref<4x16x5000xf32, #tpu.memory_space<vmem>>, vector<1x16x5000xf32>
    %get3A_8 = vector.shape_cast %get3A_7 : vector<1x16x5000xf32> to vector<16x5000xf32>
    %get3A_9 = arith.constant 2 : index
    %get3A_10 = arith.constant 0 : index
    %get3A_11 = arith.constant 0 : index
    %get3A_12 = vector.load %arg1[%get3A_9, %get3A_10, %get3A_11] : memref<4x16x5000xf32, #tpu.memory_space<vmem>>, vector<1x16x5000xf32>
    %get3A_13 = vector.shape_cast %get3A_12 : vector<1x16x5000xf32> to vector<16x5000xf32>
    %get3A_14 = arith.constant 3 : index
    %get3A_15 = arith.constant 0 : index
    %get3A_16 = arith.constant 0 : index
    %get3A_17 = vector.load %arg1[%get3A_14, %get3A_15, %get3A_16] : memref<4x16x5000xf32, #tpu.memory_space<vmem>>, vector<1x16x5000xf32>
    %get3A_18 = vector.shape_cast %get3A_17 : vector<1x16x5000xf32> to vector<16x5000xf32>
    %max3A = arith.maximumf %get3A_3, %get3A_8 : vector<16x5000xf32>
    %max3A_19 = arith.maximumf %get3A_13, %get3A_18 : vector<16x5000xf32>
    %max3A_20 = arith.maximumf %max3A, %max3A_19 : vector<16x5000xf32>
    %eq3A = arith.constant 0 : i32
    %eq3A_21 = arith.cmpi eq, %arg0, %eq3A : i32
    %convert_element_type3A = arith.extui %eq3A_21 : i1 to i32
    %cond3A = arith.constant 0 : i32
    %cond3A_22 = arith.cmpi ne, %convert_element_type3A, %cond3A : i32
    scf.if %cond3A_22 {
      %broadcast_in_dim3A = arith.constant 0 : i32
      %broadcast_in_dim3A_33 = vector.broadcast %broadcast_in_dim3A : i32 to vector<16x5000xi32>
      %gt3A_34 = arith.cmpf ogt, %get3A_8, %get3A_3 : vector<16x5000xf32>
      %select_n3A = arith.select %gt3A_34, %get3A_8, %get3A_3 : vector<16x5000xi1>, vector<16x5000xf32>
      %jit3A = arith.constant 1 : i32
      %broadcast_in_dim3A_35 = vector.broadcast %jit3A : i32 to vector<16x5000xi32>
      %select_n3A_36 = arith.select %gt3A_34, %broadcast_in_dim3A_35, %broadcast_in_dim3A_33 : vector<16x5000xi1>, vector<16x5000xi32>
      %gt3A_37 = arith.cmpf ogt, %get3A_13, %select_n3A : vector<16x5000xf32>
      %select_n3A_38 = arith.select %gt3A_37, %get3A_13, %select_n3A : vector<16x5000xi1>, vector<16x5000xf32>
      %jit3A_39 = arith.constant 2 : i32
      %broadcast_in_dim3A_40 = vector.broadcast %jit3A_39 : i32 to vector<16x5000xi32>
      %select_n3A_41 = arith.select %gt3A_37, %broadcast_in_dim3A_40, %select_n3A_36 : vector<16x5000xi1>, vector<16x5000xi32>
      %gt3A_42 = arith.cmpf ogt, %get3A_18, %select_n3A_38 : vector<16x5000xf32>
      %select_n3A_43 = arith.select %gt3A_42, %get3A_18, %select_n3A_38 : vector<16x5000xi1>, vector<16x5000xf32>
      %jit3A_44 = arith.constant 3 : i32
      %broadcast_in_dim3A_45 = vector.broadcast %jit3A_44 : i32 to vector<16x5000xi32>
      %select_n3A_46 = arith.select %gt3A_42, %broadcast_in_dim3A_45, %select_n3A_41 : vector<16x5000xi1>, vector<16x5000xi32>
      %swap3A = arith.constant 0 : index
      %swap3A_47 = arith.constant 0 : index
      %swap3A_48 = vector.load %arg4[%swap3A, %swap3A_47] : memref<16x5000xf32, #tpu.memory_space<vmem>>, vector<16x5000xf32>
      tpu.vector_store %arg4[%swap3A, %swap3A_47], %select_n3A_43 {strides = array<i32>} : memref<16x5000xf32, #tpu.memory_space<vmem>>, vector<16x5000xf32>,
      %swap3A_49 = arith.constant 0 : index
      %swap3A_50 = arith.constant 0 : index
      %swap3A_51 = vector.load %arg7[%swap3A_49, %swap3A_50] : memref<16x5000xi32, #tpu.memory_space<vmem>>, vector<16x5000xi32>
      tpu.vector_store %arg7[%swap3A_49, %swap3A_50], %select_n3A_46 {strides = array<i32>} : memref<16x5000xi32, #tpu.memory_space<vmem>>, vector<16x5000xi32>,
      %swap3A_52 = arith.constant 0 : index
      %swap3A_53 = arith.constant 0 : index
      %swap3A_54 = vector.load %arg5[%swap3A_52, %swap3A_53] : memref<16x5000xf32, #tpu.memory_space<vmem>>, vector<16x5000xf32>
      tpu.vector_store %arg5[%swap3A_52, %swap3A_53], %max3A_20 {strides = array<i32>} : memref<16x5000xf32, #tpu.memory_space<vmem>>, vector<16x5000xf32>,
      %sub3A = arith.subf %get3A_3, %max3A_20 : vector<16x5000xf32>
      %exp3A = math.exp %sub3A : vector<16x5000xf32>
      %sub3A_55 = arith.subf %get3A_8, %max3A_20 : vector<16x5000xf32>
      %exp3A_56 = math.exp %sub3A_55 : vector<16x5000xf32>
      %add3A = arith.addf %exp3A, %exp3A_56 : vector<16x5000xf32>
      %sub3A_57 = arith.subf %get3A_13, %max3A_20 : vector<16x5000xf32>
      %exp3A_58 = math.exp %sub3A_57 : vector<16x5000xf32>
      %add3A_59 = arith.addf %add3A, %exp3A_58 : vector<16x5000xf32>
      %sub3A_60 = arith.subf %get3A_18, %max3A_20 : vector<16x5000xf32>
      %exp3A_61 = math.exp %sub3A_60 : vector<16x5000xf32>
      %add3A_62 = arith.addf %add3A_59, %exp3A_61 : vector<16x5000xf32>
      %swap3A_63 = arith.constant 0 : index
      %swap3A_64 = arith.constant 0 : index
      %swap3A_65 = vector.load %arg6[%swap3A_63, %swap3A_64] : memref<16x5000xf32, #tpu.memory_space<vmem>>, vector<16x5000xf32>
      tpu.vector_store %arg6[%swap3A_63, %swap3A_64], %add3A_62 {strides = array<i32>} : memref<16x5000xf32, #tpu.memory_space<vmem>>, vector<16x5000xf32>,
    } else {
    }
    %gt3A = arith.constant 0 : i32
    %gt3A_23 = arith.cmpi sgt, %arg0, %gt3A : i32
    %lt3A = arith.constant 22 : i32
    %lt3A_24 = arith.cmpi slt, %arg0, %lt3A : i32
    %and3A = arith.andi %gt3A_23, %lt3A_24 : i1
    %convert_element_type3A_25 = arith.extui %and3A : i1 to i32
    %cond3A_26 = arith.constant 0 : i32
    %cond3A_27 = arith.cmpi ne, %convert_element_type3A_25, %cond3A_26 : i32
    scf.if %cond3A_27 {
      %get3A_33 = arith.constant 0 : index
      %get3A_34 = arith.constant 0 : index
      %get3A_35 = vector.load %arg4[%get3A_33, %get3A_34] : memref<16x5000xf32, #tpu.memory_space<vmem>>, vector<16x5000xf32>
      %get3A_36 = arith.constant 0 : index
      %get3A_37 = arith.constant 0 : index
      %get3A_38 = vector.load %arg7[%get3A_36, %get3A_37] : memref<16x5000xi32, #tpu.memory_space<vmem>>, vector<16x5000xi32>
      %gt3A_39 = arith.cmpf ogt, %get3A_3, %get3A_35 : vector<16x5000xf32>
      %select_n3A = arith.select %gt3A_39, %get3A_3, %get3A_35 : vector<16x5000xi1>, vector<16x5000xf32>
      %mul3A = arith.constant 4 : i32
      %mul3A_40 = arith.muli %mul3A, %arg0 : i32
      %add3A = arith.constant 0 : i32
      %add3A_41 = arith.addi %mul3A_40, %add3A : i32
      %broadcast_in_dim3A = vector.broadcast %add3A_41 : i32 to vector<16x5000xi32>
      %select_n3A_42 = arith.select %gt3A_39, %broadcast_in_dim3A, %get3A_38 : vector<16x5000xi1>, vector<16x5000xi32>
      %gt3A_43 = arith.cmpf ogt, %get3A_8, %select_n3A : vector<16x5000xf32>
      %select_n3A_44 = arith.select %gt3A_43, %get3A_8, %select_n3A : vector<16x5000xi1>, vector<16x5000xf32>
      %mul3A_45 = arith.constant 4 : i32
      %mul3A_46 = arith.muli %mul3A_45, %arg0 : i32
      %add3A_47 = arith.constant 1 : i32
      %add3A_48 = arith.addi %mul3A_46, %add3A_47 : i32
      %broadcast_in_dim3A_49 = vector.broadcast %add3A_48 : i32 to vector<16x5000xi32>
      %select_n3A_50 = arith.select %gt3A_43, %broadcast_in_dim3A_49, %select_n3A_42 : vector<16x5000xi1>, vector<16x5000xi32>
      %gt3A_51 = arith.cmpf ogt, %get3A_13, %select_n3A_44 : vector<16x5000xf32>
      %select_n3A_52 = arith.select %gt3A_51, %get3A_13, %select_n3A_44 : vector<16x5000xi1>, vector<16x5000xf32>
      %mul3A_53 = arith.constant 4 : i32
      %mul3A_54 = arith.muli %mul3A_53, %arg0 : i32
      %add3A_55 = arith.constant 2 : i32
      %add3A_56 = arith.addi %mul3A_54, %add3A_55 : i32
      %broadcast_in_dim3A_57 = vector.broadcast %add3A_56 : i32 to vector<16x5000xi32>
      %select_n3A_58 = arith.select %gt3A_51, %broadcast_in_dim3A_57, %select_n3A_50 : vector<16x5000xi1>, vector<16x5000xi32>
      %gt3A_59 = arith.cmpf ogt, %get3A_18, %select_n3A_52 : vector<16x5000xf32>
      %select_n3A_60 = arith.select %gt3A_59, %get3A_18, %select_n3A_52 : vector<16x5000xi1>, vector<16x5000xf32>
      %mul3A_61 = arith.constant 4 : i32
      %mul3A_62 = arith.muli %mul3A_61, %arg0 : i32
      %add3A_63 = arith.constant 3 : i32
      %add3A_64 = arith.addi %mul3A_62, %add3A_63 : i32
      %broadcast_in_dim3A_65 = vector.broadcast %add3A_64 : i32 to vector<16x5000xi32>
      %select_n3A_66 = arith.select %gt3A_59, %broadcast_in_dim3A_65, %select_n3A_58 : vector<16x5000xi1>, vector<16x5000xi32>
      %swap3A = arith.constant 0 : index
      %swap3A_67 = arith.constant 0 : index
      %swap3A_68 = vector.load %arg4[%swap3A, %swap3A_67] : memref<16x5000xf32, #tpu.memory_space<vmem>>, vector<16x5000xf32>
      tpu.vector_store %arg4[%swap3A, %swap3A_67], %select_n3A_60 {strides = array<i32>} : memref<16x5000xf32, #tpu.memory_space<vmem>>, vector<16x5000xf32>,
      %swap3A_69 = arith.constant 0 : index
      %swap3A_70 = arith.constant 0 : index
      %swap3A_71 = vector.load %arg7[%swap3A_69, %swap3A_70] : memref<16x5000xi32, #tpu.memory_space<vmem>>, vector<16x5000xi32>
      tpu.vector_store %arg7[%swap3A_69, %swap3A_70], %select_n3A_66 {strides = array<i32>} : memref<16x5000xi32, #tpu.memory_space<vmem>>, vector<16x5000xi32>,
      %get3A_72 = arith.constant 0 : index
      %get3A_73 = arith.constant 0 : index
      %get3A_74 = vector.load %arg5[%get3A_72, %get3A_73] : memref<16x5000xf32, #tpu.memory_space<vmem>>, vector<16x5000xf32>
      %max3A_75 = arith.maximumf %get3A_74, %max3A_20 : vector<16x5000xf32>
      %get3A_76 = arith.constant 0 : index
      %get3A_77 = arith.constant 0 : index
      %get3A_78 = vector.load %arg6[%get3A_76, %get3A_77] : memref<16x5000xf32, #tpu.memory_space<vmem>>, vector<16x5000xf32>
      %sub3A = arith.subf %get3A_74, %max3A_75 : vector<16x5000xf32>
      %exp3A = math.exp %sub3A : vector<16x5000xf32>
      %mul3A_79 = arith.mulf %get3A_78, %exp3A : vector<16x5000xf32>
      %sub3A_80 = arith.subf %get3A_3, %max3A_75 : vector<16x5000xf32>
      %exp3A_81 = math.exp %sub3A_80 : vector<16x5000xf32>
      %add3A_82 = arith.addf %mul3A_79, %exp3A_81 : vector<16x5000xf32>
      %sub3A_83 = arith.subf %get3A_8, %max3A_75 : vector<16x5000xf32>
      %exp3A_84 = math.exp %sub3A_83 : vector<16x5000xf32>
      %add3A_85 = arith.addf %add3A_82, %exp3A_84 : vector<16x5000xf32>
      %sub3A_86 = arith.subf %get3A_13, %max3A_75 : vector<16x5000xf32>
      %exp3A_87 = math.exp %sub3A_86 : vector<16x5000xf32>
      %add3A_88 = arith.addf %add3A_85, %exp3A_87 : vector<16x5000xf32>
      %sub3A_89 = arith.subf %get3A_18, %max3A_75 : vector<16x5000xf32>
      %exp3A_90 = math.exp %sub3A_89 : vector<16x5000xf32>
      %add3A_91 = arith.addf %add3A_88, %exp3A_90 : vector<16x5000xf32>
      %swap3A_92 = arith.constant 0 : index
      %swap3A_93 = arith.constant 0 : index
      %swap3A_94 = vector.load %arg6[%swap3A_92, %swap3A_93] : memref<16x5000xf32, #tpu.memory_space<vmem>>, vector<16x5000xf32>
      tpu.vector_store %arg6[%swap3A_92, %swap3A_93], %add3A_91 {strides = array<i32>} : memref<16x5000xf32, #tpu.memory_space<vmem>>, vector<16x5000xf32>,
      %swap3A_95 = arith.constant 0 : index
      %swap3A_96 = arith.constant 0 : index
      %swap3A_97 = vector.load %arg5[%swap3A_95, %swap3A_96] : memref<16x5000xf32, #tpu.memory_space<vmem>>, vector<16x5000xf32>
      tpu.vector_store %arg5[%swap3A_95, %swap3A_96], %max3A_75 {strides = array<i32>} : memref<16x5000xf32, #tpu.memory_space<vmem>>, vector<16x5000xf32>,
    } else {
    }
    %eq3A_28 = arith.constant 22 : i32
    %eq3A_29 = arith.cmpi eq, %arg0, %eq3A_28 : i32
    %convert_element_type3A_30 = arith.extui %eq3A_29 : i1 to i32
    %cond3A_31 = arith.constant 0 : i32
    %cond3A_32 = arith.cmpi ne, %convert_element_type3A_30, %cond3A_31 : i32
    scf.if %cond3A_32 {
      %get3A_33 = arith.constant 0 : index
      %get3A_34 = arith.constant 0 : index
      %get3A_35 = vector.load %arg4[%get3A_33, %get3A_34] : memref<16x5000xf32, #tpu.memory_space<vmem>>, vector<16x5000xf32>
      %get3A_36 = arith.constant 0 : index
      %get3A_37 = arith.constant 0 : index
      %get3A_38 = vector.load %arg7[%get3A_36, %get3A_37] : memref<16x5000xi32, #tpu.memory_space<vmem>>, vector<16x5000xi32>
      %gt3A_39 = arith.cmpf ogt, %get3A_3, %get3A_35 : vector<16x5000xf32>
      %select_n3A = arith.select %gt3A_39, %get3A_3, %get3A_35 : vector<16x5000xi1>, vector<16x5000xf32>
      %jit3A = arith.constant 88 : i32
      %broadcast_in_dim3A = vector.broadcast %jit3A : i32 to vector<16x5000xi32>
      %select_n3A_40 = arith.select %gt3A_39, %broadcast_in_dim3A, %get3A_38 : vector<16x5000xi1>, vector<16x5000xi32>
      %gt3A_41 = arith.cmpf ogt, %get3A_8, %select_n3A : vector<16x5000xf32>
      %select_n3A_42 = arith.select %gt3A_41, %get3A_8, %select_n3A : vector<16x5000xi1>, vector<16x5000xf32>
      %jit3A_43 = arith.constant 89 : i32
      %broadcast_in_dim3A_44 = vector.broadcast %jit3A_43 : i32 to vector<16x5000xi32>
      %select_n3A_45 = arith.select %gt3A_41, %broadcast_in_dim3A_44, %select_n3A_40 : vector<16x5000xi1>, vector<16x5000xi32>
      %gt3A_46 = arith.cmpf ogt, %get3A_13, %select_n3A_42 : vector<16x5000xf32>
      %select_n3A_47 = arith.select %gt3A_46, %get3A_13, %select_n3A_42 : vector<16x5000xi1>, vector<16x5000xf32>
      %jit3A_48 = arith.constant 90 : i32
      %broadcast_in_dim3A_49 = vector.broadcast %jit3A_48 : i32 to vector<16x5000xi32>
      %select_n3A_50 = arith.select %gt3A_46, %broadcast_in_dim3A_49, %select_n3A_45 : vector<16x5000xi1>, vector<16x5000xi32>
      %get3A_51 = arith.constant 0 : index
      %get3A_52 = arith.constant 0 : index
      %get3A_53 = vector.load %arg5[%get3A_51, %get3A_52] : memref<16x5000xf32, #tpu.memory_space<vmem>>, vector<16x5000xf32>
      %max3A_54 = arith.maximumf %get3A_53, %max3A_20 : vector<16x5000xf32>
      %get3A_55 = arith.constant 0 : index
      %get3A_56 = arith.constant 0 : index
      %get3A_57 = vector.load %arg6[%get3A_55, %get3A_56] : memref<16x5000xf32, #tpu.memory_space<vmem>>, vector<16x5000xf32>
      %sub3A = arith.subf %get3A_53, %max3A_54 : vector<16x5000xf32>
      %exp3A = math.exp %sub3A : vector<16x5000xf32>
      %mul3A = arith.mulf %get3A_57, %exp3A : vector<16x5000xf32>
      %sub3A_58 = arith.subf %get3A_3, %max3A_54 : vector<16x5000xf32>
      %exp3A_59 = math.exp %sub3A_58 : vector<16x5000xf32>
      %add3A = arith.addf %mul3A, %exp3A_59 : vector<16x5000xf32>
      %sub3A_60 = arith.subf %get3A_8, %max3A_54 : vector<16x5000xf32>
      %exp3A_61 = math.exp %sub3A_60 : vector<16x5000xf32>
      %add3A_62 = arith.addf %add3A, %exp3A_61 : vector<16x5000xf32>
      %sub3A_63 = arith.subf %get3A_13, %max3A_54 : vector<16x5000xf32>
      %exp3A_64 = math.exp %sub3A_63 : vector<16x5000xf32>
      %add3A_65 = arith.addf %add3A_62, %exp3A_64 : vector<16x5000xf32>
      %sub3A_66 = arith.subf %get3A_18, %max3A_54 : vector<16x5000xf32>
      %exp3A_67 = math.exp %sub3A_66 : vector<16x5000xf32>
      %add3A_68 = arith.addf %add3A_65, %exp3A_67 : vector<16x5000xf32>
      %sub3A_69 = arith.subf %select_n3A_47, %max3A_54 : vector<16x5000xf32>
      %exp3A_70 = math.exp %sub3A_69 : vector<16x5000xf32>
      %div3A = arith.divf %exp3A_70, %add3A_68 : vector<16x5000xf32>
      %gt3A_71 = arith.constant 0.699999988 : f32
      %gt3A_72 = vector.broadcast %gt3A_71 : f32 to vector<16x5000xf32>
      %gt3A_73 = arith.cmpf ogt, %div3A, %gt3A_72 : vector<16x5000xf32>
      %jit3A_74 = arith.constant 0.000000e+00 : f32
      %broadcast_in_dim3A_75 = vector.broadcast %jit3A_74 : f32 to vector<16x5000xf32>
      %select_n3A_76 = arith.select %gt3A_73, %div3A, %broadcast_in_dim3A_75 : vector<16x5000xi1>, vector<16x5000xf32>
      %swap3A = arith.constant 0 : index
      %swap3A_77 = arith.constant 0 : index
      %swap3A_78 = vector.load %arg2[%swap3A, %swap3A_77] : memref<16x5000xf32, #tpu.memory_space<vmem>>, vector<16x5000xf32>
      tpu.vector_store %arg2[%swap3A, %swap3A_77], %select_n3A_76 {strides = array<i32>} : memref<16x5000xf32, #tpu.memory_space<vmem>>, vector<16x5000xf32>,
      %jit3A_79 = arith.constant 0 : i32
      %broadcast_in_dim3A_80 = vector.broadcast %jit3A_79 : i32 to vector<16x5000xi32>
      %select_n3A_81 = arith.select %gt3A_73, %select_n3A_50, %broadcast_in_dim3A_80 : vector<16x5000xi1>, vector<16x5000xi32>
      %swap3A_82 = arith.constant 0 : index
      %swap3A_83 = arith.constant 0 : index
      %swap3A_84 = vector.load %arg3[%swap3A_82, %swap3A_83] : memref<16x5000xi32, #tpu.memory_space<vmem>>, vector<16x5000xi32>
      tpu.vector_store %arg3[%swap3A_82, %swap3A_83], %select_n3A_81 {strides = array<i32>} : memref<16x5000xi32, #tpu.memory_space<vmem>>, vector<16x5000xi32>,
    } else {
    }
    return
  }
  func.func @transform_0(%arg0: i32) -> (i32, i32, i32) {
    %c0_i32 = arith.constant 0 : i32
    %c0_i32_0 = arith.constant 0 : i32
    %c0_i32_1 = arith.constant 0 : i32
    return %arg0, %c0_i32, %c0_i32_0 : i32, i32, i32
  }
  func.func @transform_1(%arg0: i32) -> (i32, i32) {
    %c0_i32 = arith.constant 0 : i32
    %c0_i32_0 = arith.constant 0 : i32
    %c0_i32_1 = arith.constant 0 : i32
    return %c0_i32, %c0_i32_0 : i32, i32
  }
  func.func @transform_2(%arg0: i32) -> (i32, i32) {
    %c0_i32 = arith.constant 0 : i32
    %c0_i32_0 = arith.constant 0 : i32
    %c0_i32_1 = arith.constant 0 : i32
    return %c0_i32, %c0_i32_0 : i32, i32
  }
}

</mosaic_0001>

<sc_bundles>
// kernel: kernel.4.cloned.1.call-start
scs
__scs_entry_jumppad:
0x0: {  	(pc) =	sbr.rel $0x88, $3  }
0x1: {  	(tag) =	ssettag $0x0;
	lr =	simm.s32 $0x1  }
0x2: {  	[smem:$0x3F9E] =	sst lr;
	_ =	strace $0xD0000000  }
0x3: {  	_ = 	snop  }
0x4: {  	_ = 	snop  }
0x5: {  	_ = 	snop  }
0x6: {  	_ = 	snop  }
0x7: {  	_ = 	snop  }
__scs_overlays_trampoline_lowered:
0x8: {  	[smem:$0x3FAD] =	sst s0  }
0x9: {  	[smem:$0x3FAE] =	sst s1  }
0xa: {  	[smem:$0x3FAF] =	sst s2  }
0xb: {  	[smem:$0x3FB0] =	sst s3  }
0xc: {  	[smem:$0x3FB1] =	sst s4  }
0xd: {  	[smem:$0x3FB2] =	sst s5  }
0xe: {  	[smem:$0x3FB3] =	sst s6  }
0xf: {  	[smem:$0x3FB4] =	sst s7  }
0x10: {  	[smem:$0x3FB5] =	sst s8  }
0x11: {  	[smem:$0x3FB6] =	sst s9;
	s0 =	simm.s32 @!p0 $0x0  }
0x12: {  	s1 =	sld [smem:$0x3F9C];
	s0 =	simm.s32 @p0 $0x1  }
0x13: {  	[smem:$0x3FB7] =	sst s0;
	s0 =	simm.s32 @!p1 $0x0  }
0x14: {  	s2 =	sld [smem:$0x3F9B];
	s0 =	simm.s32 @p1 $0x1  }
0x15: {  	[smem:$0x3FB8] =	sst s0;
	s0 =	simm.s32 @!p2 $0x0  }
0x16: {  	s3 =	sld [smem:$0x3FDB];
	s0 =	simm.s32 @p2 $0x1  }
0x17: {  	s4 =	simm.s32 $0x1BF5;
	[smem:$0x3FBA] =	sst s0  }
0x18: {  	s0 =	sld [smem:$0x3F9D];
	_ =	swait.ge [sflag:s4], $0x0  }
0x19: {  	s7 =	sld [smem:$0x3F9E]  }
0x1a: {  	s8 =	sadd.s32 $0xFFFFE003, lr  }
0x1b: {  	s9 =	sadd.s32 $0xFFFFFEF7, lr;
	s5 =	simm.s32 $0xFFFFFFFF;
	p2 =	slt.u32 s8, $0xFFFFF086  }
0x1c: {  	p1 =	slt.u32 s9, $0xF7A;
	s5 =	simm.s32 @!p2 $0x0  }
0x1d: {  	s5 =	simm.s32 @p1 $0x1;
	p0 =	seq.s32 s7, s2  }
0x1e: {  	s7 =	smul.u32 @!p0 $0xF7A, s2;
	p2 =	seq.s32 @!p0 s5, $0x0  }
0x1f: {  	s9 =	smul.u32 $0xF7A, s1;
	s8 =	simm.s32 @!p0 $0x1BF5;
	p2 =	por !p2, p0  }
0x20: {  	[sflag:s8] =	ssyncset.s32 @!p0 $0xFFFFF086;
	s6 =	sadd.s32 @!p0 s3, s7;
	s7 =	simm.s32 @!p0 $0x108  }
0x21: {  	s3 =	sadd.s32 s3, s9;
	s6 =	sadd.s32 @!p0 $0x88, s6;
	s7 =	simm.s32 @p2 $0x1082  }
0x22: {  	[simem:s7], [sflag:s8] =	dma.local @!p0 [hbm:s6], $0xF7A  }
0x23: {  	s9 =	sor.u32 $0xD0000000, s2;
	s6 =	simm.s32 $0x108;
	_ =	swait.ge @!p0 [sflag:s8], $0x0  }
0x24: {  	s3 =	sadd.s32 $0x88, s3;
	s6 =	simm.s32 @!p1 $0x1082;
	[sflag:s4] =	ssyncset.s32 $0xFFFFF086  }
0x25: {  	[simem:s6], [sflag:s4] =	dma.local [hbm:s3], $0xF7A  }
0x26: {  	[smem:$0x3F9E] =	sst s1;
	(tag) =	ssettag s2;
	_ =	strace s9  }
0x27: {  	s1 =	sld [smem:$0x3FAE]  }
0x28: {  	s2 =	sld [smem:$0x3FAF]  }
0x29: {  	s4 =	sld [smem:$0x3FB1]  }
0x2a: {  	p0 =	seq.s32 s5, $0x0;
	s5 =	sld [smem:$0x3FB2]  }
0x2b: {  	s6 =	sld [smem:$0x3FB3]  }
0x2c: {  	s7 =	sld [smem:$0x3FB4]  }
0x2d: {  	s3 =	simm.s32 $0x108;
	s8 =	sld [smem:$0x3FB5]  }
0x2e: {  	s3 =	simm.s32 @!p0 $0x1082;
	s9 =	sld [smem:$0x3FB6]  }
0x2f: {  	lr =	sadd.s32 s0, s3;
	s0 =	sld [smem:$0x3FAD]  }
0x30: {  	s3 =	sld [smem:$0x3FB0]  }
0x31: {  	[smem:$0x3FB9] =	sst s10  }
0x32: {  	s10 =	sld [smem:$0x3FB7];
	_ =	sdelay $0x3  }
0x33: {  	p0 =	seq.s32 s10, $0x1;
	s10 =	sld [smem:$0x3FB9];
	_ =	sdelay $0x3  }
0x34: {  	[smem:$0x3FB9] =	sst s10  }
0x35: {  	s10 =	sld [smem:$0x3FB8];
	_ =	sdelay $0x3  }
0x36: {  	p1 =	seq.s32 s10, $0x1;
	s10 =	sld [smem:$0x3FB9];
	_ =	sdelay $0x3  }
0x37: {  	[smem:$0x3FB9] =	sst s10  }
0x38: {  	s10 =	sld [smem:$0x3FBA]  }
0x39: {  	_ = 	snop;
	(pc) =	sbr.ind lr, $3  }
0x3a: {  	_ = 	snop  }
0x3b: {  	_ = 	snop  }
0x3c: {  	p2 =	seq.s32 s10, $0x1;
	s10 =	sld [smem:$0x3FB9]  }
0x3d: {  	_ =	shalt  }
0x3e: {  	_ =	shalt  }
0x3f: {  	_ =	shalt  }
0x40: {  	_ =	shalt  }
0x41: {  	_ =	shalt  }
0x42: {  	_ =	shalt  }
0x43: {  	_ =	shalt  }
0x44: {  	_ =	shalt  }
0x45: {  	_ =	shalt  }
0x46: {  	_ =	shalt  }
0x47: {  	_ =	shalt  }
0x48: {  	_ =	shalt  }
0x49: {  	_ =	shalt  }
0x4a: {  	_ =	shalt  }
0x4b: {  	_ =	shalt  }
0x4c: {  	_ =	shalt  }
0x4d: {  	_ =	shalt  }
0x4e: {  	_ =	shalt  }
0x4f: {  	_ =	shalt  }
0x50: {  	_ =	shalt  }
0x51: {  	_ =	shalt  }
0x52: {  	_ =	shalt  }
0x53: {  	_ =	shalt  }
0x54: {  	_ =	shalt  }
0x55: {  	_ =	shalt  }
0x56: {  	_ =	shalt  }
0x57: {  	_ =	shalt  }
0x58: {  	_ =	shalt  }
0x59: {  	_ =	shalt  }
0x5a: {  	_ =	shalt  }
0x5b: {  	_ =	shalt  }
0x5c: {  	_ =	shalt  }
0x5d: {  	_ =	shalt  }
0x5e: {  	_ =	shalt  }
0x5f: {  	_ =	shalt  }
0x60: {  	_ =	shalt  }
0x61: {  	_ =	shalt  }
0x62: {  	_ =	shalt  }
0x63: {  	_ =	shalt  }
0x64: {  	_ =	shalt  }
0x65: {  	_ =	shalt  }
0x66: {  	_ =	shalt  }
0x67: {  	_ =	shalt  }
0x68: {  	_ =	shalt  }
0x69: {  	_ =	shalt  }
0x6a: {  	_ =	shalt  }
0x6b: {  	_ =	shalt  }
0x6c: {  	_ =	shalt  }
0x6d: {  	_ =	shalt  }
0x6e: {  	_ =	shalt  }
0x6f: {  	_ =	shalt  }
0x70: {  	_ =	shalt  }
0x71: {  	_ =	shalt  }
0x72: {  	_ =	shalt  }
0x73: {  	_ =	shalt  }
0x74: {  	_ =	shalt  }
0x75: {  	_ =	shalt  }
0x76: {  	_ =	shalt  }
0x77: {  	_ =	shalt  }
0x78: {  	_ =	shalt  }
0x79: {  	_ =	shalt  }
0x7a: {  	_ =	shalt  }
0x7b: {  	_ =	shalt  }
0x7c: {  	_ =	shalt  }
0x7d: {  	_ =	shalt  }
0x7e: {  	_ =	shalt  }
0x7f: {  	_ =	shalt  }
0x80: {  	_ =	shalt  }
0x81: {  	_ =	shalt  }
0x82: {  	_ =	shalt  }
0x83: {  	_ =	shalt  }
0x84: {  	_ =	shalt  }
0x85: {  	_ =	shalt  }
0x86: {  	_ =	shalt  }
0x87: {  	_ =	shalt  }
.Lfunc_end0:
.L_simem_size_0:
called_computation_lowered:
.L_overlay_start_0:
0x88: {  	s2 =	sld [smem:$0x3FD9]  }
0x89: {  	s3 =	sld [smem:$0x3FFE];
	_ =	sdelay $0x1  }
0x8a: {  	s1 =	srdreg.scid  }
0x8b: {  	s0 =	sand.u32 $0x1, s1  }
0x8c: {  	s14 =	sshll.u32 s0, $0xA;
	s2 =	sadd.s32 s3, s2  }
0x8d: {  	s2 =	sadd.s32 s2, s14  }
0x8e: {  	[smem:$0x3FC5] =	sst s2  }
0x8f: {  	_ = 	snop  }
0x90: {  	s2 =	sld [smem:$0x3FD0];
	_ =	sdelay $0x2  }
0x91: {  	s15 =	simm.s32 $0xA;
	s4 =	simm.s32 $0x10  }
0x92: {  	[smem:s4], [sflag:s15] =	dma.local [hbm:s2], $0x1  }
0x93: {  	_ =	swait.eq [sflag:s15], $0x1  }
0x94: {  	[sflag:s15] =	ssyncset.done $0x0  }
0x95: {  	[sflag:s15] =	ssyncadd.s32 $0xFFFFFFFF  }
0x96: {  	s16 =	sld [smem:$0x12];
	(tm) =	ssettm $0x1  }
0x97: {  	s17 =	sld [smem:$0x3FFB];
	_ =	sdelay $0x3  }
0x98: {  	_ =	strace s17  }
0x99: {  	s3 =	sld [smem:$0x3FFC];
	_ =	sdelay $0x3  }
0x9a: {  	_ =	strace s3  }
0x9b: {  	s3 =	sld [smem:$0x3FFD];
	_ =	sdelay $0x3  }
0x9c: {  	_ =	strace s3  }
0x9d: {  	_ =	strace $0x8FFFFFFF  }
0x9e: {  	s18 =	sld [smem:$0x3FDB];
	_ =	sdelay $0x1  }
0x9f: {  	s19 =	simm.s32 $_scs_section_size  }
0xa0: {  	s5 =	simm.s32 $_size__tile_overlayer_lowered;
	s6 =	simm.s32 $_tile_overlayer_lowered  }
0xa1: {  	s22 =	simm.s32 $0x1BFF;
	s21 =	sshll.u32 s6, $0x1;
	s3 =	sadd.s32 s19, s18  }
0xa2: {  	s7 =	simm.s32 $0x0;
	s20 =	sshll.u32 s5, $0x1;
	s5 =	sadd.s32 s21, s3  }
0xa3: {  	[timem:s7], [sflag:s22] =	dma.local [hbm:s5], s20  }
0xa4: {  	_ =	swait.ge [sflag:s22], s20  }
0xa5: {  	s4 =	ssub.s32 $0x0, s20;
	[sflag:s22] =	ssyncset.done $0x0  }
0xa6: {  	[sflag:s22] =	ssyncadd.s32 s4;
	_ =	sdelay $0x1  }
0xa7: {  	s23 =	simm.s32 $0x1B8B  }
0xa8: {  	_ =	swait.ge [sflag:s23], $0x1  }
0xa9: {  	[sflag:s23] =	ssyncset.done $0x0  }
0xaa: {  	s25 =	simm.s32 $0x1B8E;
	s24 =	sld [smem:$0x3FFE];
	[sflag:s23] =	ssyncadd.s32 $0xFFFFFFFF  }
0xab: {  	s26 =	simm.s32 $execute0_lowered;
	[smem:$0x3FD2] =	sst s25  }
0xac: {  	s5 =	sshll.u32 s26, $0x1;
	_ =	strace $0x80000046;
	[dreg:$0x1] =	wrdreg $0xFFFFFFFF  }
0xad: {  	s28 =	simm.s32 $_size_execute0_lowered;
	s3 =	sadd.s32 s3, s5;
	[dreg:$0x0] =	wrdreg $0x0  }
0xae: {  	s5 =	sshll.u32 s28, $0x1;
	[dreg:$0x2] =	wrdreg s3  }
0xaf: {  	[dreg:$0x3] =	wrdreg s5  }
0xb0: {  	[dreg:$0x4] =	wrdreg $0xC0  }
0xb1: {  	_ =	task [dreg:s7], $0x5FFFF  }
0xb2: {  	[dreg:$0x1] =	wrdreg $0xFFFFFFFF  }
0xb3: {  	[dreg:$0x0] =	wrdreg $0x60  }
0xb4: {  	[dreg:$0x2] =	wrdreg s16  }
0xb5: {  	[dreg:$0x3] =	wrdreg s24  }
0xb6: {  	[dreg:$0x4] =	wrdreg $0x9  }
0xb7: {  	_ =	task.clear_ibuf [dreg:s7], $0x5FFFF;
	_ =	strace $0x90000046  }
0xb8: {  	s29 =	simm.s32 $0x9;
	_ =	strace $0x80000048  }
0xb9: {  	_ =	swait.ge [sflag:s29], $0x1  }
0xba: {  	[sflag:s29] =	ssyncadd.s32 $0xFFFFFFFF  }
0xbb: {  	_ =	strace $0x90000048  }
0xbc: {  	_ =	sfence  }
0xbd: {  	s30 =	sld [smem:$0x0];
	_ =	sdelay $0x2  }
0xbe: {  	s31 =	sshll.u32 s1, $0xD;
	s1 =	sshrl.u32 s1, $0x2  }
0xbf: {  	s3 =	sand.u32 $0x4000, s31;
	s1 =	sadd.s32 s1, s30  }
0xc0: {  	s0 =	sor.u32 s3, s0;
	s1 =	sshll.u32 s1, $0x11  }
0xc1: {  	s0 =	sor.u32 s1, s0  }
0xc2: {  	s0 =	sadd.s32 $0x8F2B, s0  }
0xc3: {  	[sflag:s0] =	ssyncadd.remote.s32 $0x1  }
0xc4: {  	_ =	sfence.sel $0xFFFF  }
0xc5: {  	[dreg:$0x0] =	wrdreg $0xFFFFFFFF;
	(pc) =	sbr.abs _section_cstart, $3  }
0xc6: {  	[dreg:$0x1] =	wrdreg $0xFFFFFFFF  }
0xc7: {  	_ =	task.clear_ibuf [dreg:s7], $0x2FFFF;
	_ =	strace $0x9FFFFFFF  }
0xc8: {  	(tm) =	ssettm $0x7FFFFFFF  }
0xc9: {  	_ =	shalt  }
tec
execute0_lowered:
.L_overlay_start_1:
0x0: {  	(tag) =	ssettag $0x1  }
0x1: {  	s6 =	rddreg [dreg:$0x0];
	s1 =	srdreg.scid  }
0x2: {  	s0 =	stileid.u32;
	s9 =	rddreg [dreg:$0x1];
	s3 =	simm.s32 $0x1  }
0x3: {  	s10 =	simm.s32 $0x1;
	s7 =	sand.u32 $0x1, s1;
	s2 =	sshll.u32 s0, $0x1  }
0x4: {  	s5 =	simm.s32 $0x3B80;
	s1 =	rddreg [dreg:$0x2];
	s8 =	sor.u32 s7, s2  }
0x5: {  	s2 =	simm.s32 $0x0;
	p1 =	seq.s32 s7, $0x1;
	p0 =	seq.s32 s8, $0x0  }
0x6: {  	s4 =	sadd.s32 $0x800, s9;
	[smem:$0x7FF] =	sst s2;
	p0 =	por !p0, !p1  }
0x7: {  	s31 =	ssub.s32 $0x2, s7;
	_ =	strace $0x80000047;
	p0 =	por !p0, !p0  }
0x8: {  	[tilespmem:s5], [sflag:$0x1] =	stream.linear.gather [hbm4b:s4+s2], $0x80, $0x38;
	[tilespmem:$0x3C00] =	vst v63  }
0x9: {  	s11 =	smul.u32 $0x4E2, s8;
	s10 =	simm.s32 @!p0 $0x0;
	_ =	swait.ge [sflag:s3], $0x80  }
0xa: {  	s12 =	sshrl.u32 s31, $0x1;
	s30 =	ssub.s32 s0, s10;
	[sflag:s3] =	ssyncset.done $0x0  }
0xb: {  	s6 =	sadd.s32 s6, s11;
	s8 =	smul.u32 $0x1388, s30;
	[sflag:s3] =	ssyncadd.s32 $0xFFFFFF80  }
0xc: {  	[tilespmem:s2], [sflag:$0x1] =	stream.linear.gather [hbm4b:s6+s2], $0x2710, $0x38;
	[tilespmem:$0x3C00] =	vst v63  }
0xd: {  	s10 =	ssub.s32 s31, s12;
	s8 =	sshrl.u32 s8, $0x3;
	_ =	swait.ge [sflag:s3], $0x2710  }
0xe: {  	s10 =	smax.u32 s10, $0x1;
	s8 =	sadd.s32 s8, s9;
	[sflag:s3] =	ssyncset.done $0x0  }
0xf: {  	s7 =	sadd.s32 $0xA00, s8;
	s8 =	simm.s32 $0x2780;
	[sflag:s3] =	ssyncadd.s32 $0xFFFFD8F0  }
0x10: {  	[tilespmem:s8], [sflag:$0x1] =	stream.linear.gather [hbm4b:s7+s2], $0x1388, $0x38;
	[tilespmem:$0x3C00] =	vst v63  }
0x11: {  	p0 =	sne.s32 s10, $0x1;
	_ =	swait.ge [sflag:s3], $0x1388  }
.Ltmp0:
0x12: {  	s9 =	sadd.s32 s11, s9;
	[sflag:s3] =	ssyncset.done $0x0;
	(pc) =	sbr.rel @!p0 .LBB2_2-.Ltmp0, $4  }
0x13: {  	s9 =	sadd.s32 $0x3200, s9;
	[sflag:s3] =	ssyncadd.s32 $0xFFFFEC78  }
0x14: {  	[hbm4b:s9+s2] =	stream.linear.scatter [tilespmem:s2], [sflag:$0x1], $0x2710, $0x38;
	[tilespmem:$0x3C00] =	vst v63  }
0x15: {  	_ =	swait.ge [sflag:s3], $0x2710  }
0x16: {  	s10 =	sadd.s32 $0xFFFFFFFF, s10;
	[sflag:s3] =	ssyncset.done $0x0  }
.LBB2_1:
0x17: {  	p0 =	sne.s32 s10, $0x1;
	s10 =	sadd.s32 $0xFFFFFFFF, s10;
	[sflag:s3] =	ssyncadd.s32 $0xFFFFD8F0  }
0x18: {  	[tilespmem:s5], [sflag:$0x1] =	stream.linear.gather [hbm4b:s4+s2], $0x80, $0x38;
	[tilespmem:$0x3C00] =	vst v63  }
0x19: {  	_ =	swait.ge [sflag:s3], $0x80  }
0x1a: {  	[sflag:s3] =	ssyncset.done $0x0  }
0x1b: {  	[sflag:s3] =	ssyncadd.s32 $0xFFFFFF80  }
0x1c: {  	[tilespmem:s2], [sflag:$0x1] =	stream.linear.gather [hbm4b:s6+s2], $0x2710, $0x38;
	[tilespmem:$0x3C00] =	vst v63  }
0x1d: {  	_ =	swait.ge [sflag:s3], $0x2710  }
0x1e: {  	[sflag:s3] =	ssyncset.done $0x0  }
0x1f: {  	[sflag:s3] =	ssyncadd.s32 $0xFFFFD8F0  }
0x20: {  	[tilespmem:s8], [sflag:$0x1] =	stream.linear.gather [hbm4b:s7+s2], $0x1388, $0x38;
	[tilespmem:$0x3C00] =	vst v63  }
0x21: {  	_ =	swait.ge [sflag:s3], $0x1388  }
.Ltmp1:
0x22: {  	[sflag:s3] =	ssyncset.done $0x0;
	(pc) =	sbr.rel @p0 .LBB2_1-.Ltmp1, $4  }
0x23: {  	[sflag:s3] =	ssyncadd.s32 $0xFFFFEC78  }
0x24: {  	[hbm4b:s9+s2] =	stream.linear.scatter [tilespmem:s2], [sflag:$0x1], $0x2710, $0x38;
	[tilespmem:$0x3C00] =	vst v63  }
0x25: {  	_ =	swait.ge [sflag:s3], $0x2710  }
0x26: {  	[sflag:s3] =	ssyncset.done $0x0  }
.LBB2_2:
0x27: {  	[sflag:s3] =	ssyncadd.s32 $0xFFFFD8F0  }
0x28: {  	_ =	sfence.sel $0x180000  }
0x29: {  	[bflag:$0x0] =	sbarrier.arrive $0xFFFF  }
0x2a: {  	p0 =	sne.s32 s0, $0x0;
	_ =	strace $0x90000047  }
0x2b: {  	s0 =	sadd.s32 @!p0 $0x100000, s1;
	[bflag:$0x2] =	sbarrier.arrive $0xFFFF  }
0x2c: {  	[sflag:s0] =	ssyncadd.tile.s32 @!p0 $0x1;
	_ =	shalt  }
.Lfunc_end2:
_tile_overlayer_lowered:
.L_overlay_start_2:
0x2d: {  	(tag) =	ssettag $0x2  }
0x2e: {  	s0 =	rddreg [dreg:$0x0];
	s2 =	stileid.u32  }
0x2f: {  	s1 =	rddreg [dreg:$0x1];
	p0 =	sne.s32 s2, $0x0  }
0x30: {  	s3 =	rddreg [dreg:$0x2];
	[bflag:$0x3] =	sbarrier.arrive $0xFFFF;
	s2 =	simm.s32 @!p0 $0x1C01  }
0x31: {  	[timem:s3], [sflag:s2] =	dma.local @!p0 [hbm:s0], s1  }
0x32: {  	s0 =	simm.s32 @!p0 $0x1  }
0x33: {  	_ =	swait.ge @!p0 [sflag:s0], s1  }
0x34: {  	s1 =	ssub.s32 @!p0 $0x0, s1;
	[sflag:s0] =	ssyncset.done @!p0 $0x0  }
0x35: {  	[sflag:s0] =	ssyncadd.s32 @!p0 s1  }
0x36: {  	[bflag:$0x3] =	sbarrier.arrive $0xFFFF  }
0x37: {  	_ =	shalt  }

</sc_bundles>
